<compile_context>
chip_gen: v7x
topology: tpu7x:2x2x1
jax: 0.10.2.dev20260603
libtpu: 0.0.44.dev20260713+nightly
codegen_flags: <defaults>
</compile_context>

<pallas_src>
import jax
import jax.numpy as jnp
from jax.experimental import pallas as pl
from jax.experimental.pallas import tpu as pltpu

MAX_NUM_TILES = 4
NUM_PATCHES = 1025
HIDDEN_SIZE = 1280
NUM_ASPECT = 9
BATCH = 8

ROW = NUM_PATCHES * HIDDEN_SIZE
PBLK = 128
CBLK = PBLK * HIDDEN_SIZE
KBLKS = (NUM_PATCHES - 1) // PBLK


def _main_body(perm_ref, ids_ref, hid_ref, gate_ref, emb_ref, tab_ref, out_ref):
    g = jnp.tanh(gate_ref[0])
    idv = ids_ref[pl.program_id(2)]
    row = tab_ref[idv]
    tab = row.reshape(PBLK, HIDDEN_SIZE)
    out_ref[0, 0] = hid_ref[0, 0] + (1.0 - g) * emb_ref[...] + g * tab


def _runt_body(perm_ref, ids_ref, hid_ref, gate_ref, emb_ref,
               t0_ref, t1_ref, t2_ref, t3_ref, out_ref):
    g = jnp.tanh(gate_ref[0])
    idv = ids_ref[pl.program_id(0)]
    base = (1.0 - g) * emb_ref[...]
    for t, tref in enumerate((t0_ref, t1_ref, t2_ref, t3_ref)):
        out_ref[0, t, 0] = hid_ref[0, t, 0] + base[0] + g * tref[idv]


def kernel(hidden_state, aspect_ratio_ids, gate, embedding, tile_embedding_weight):
    ids = aspect_ratio_ids.astype(jnp.int32)
    perm = jnp.argsort(ids)
    ids_sorted = jnp.take(ids, perm, axis=0)
    table = tile_embedding_weight

    main = pl.pallas_call(
        _main_body,
        grid_spec=pltpu.PrefetchScalarGridSpec(
            num_scalar_prefetch=2,
            grid=(MAX_NUM_TILES, KBLKS, BATCH),
            in_specs=[
                pl.BlockSpec(
                    (1, 1, PBLK, HIDDEN_SIZE),
                    lambda t, k, b, perm, ids: (perm[b], t, k, 0),
                ),
                pl.BlockSpec(memory_space=pltpu.SMEM),
                pl.BlockSpec(
                    (PBLK, HIDDEN_SIZE),
                    lambda t, k, b, perm, ids: (k, 0),
                ),
                pl.BlockSpec(
                    (pl.Element(NUM_ASPECT), pl.Element(CBLK)),
                    lambda t, k, b, perm, ids: (0, pl.multiple_of(t * ROW + k * CBLK, 1280)),
                ),
            ],
            out_specs=pl.BlockSpec(
                (1, 1, PBLK, HIDDEN_SIZE),
                lambda t, k, b, perm, ids: (perm[b], t, k, 0),
            ),
        ),
        out_shape=jax.ShapeDtypeStruct(hidden_state.shape, hidden_state.dtype),
    )(perm, ids_sorted, hidden_state, gate, embedding, table)

    runt_col = (NUM_PATCHES - 1) * HIDDEN_SIZE
    runt = pl.pallas_call(
        _runt_body,
        grid_spec=pltpu.PrefetchScalarGridSpec(
            num_scalar_prefetch=2,
            grid=(BATCH,),
            in_specs=[
                pl.BlockSpec(
                    (1, MAX_NUM_TILES, 8, HIDDEN_SIZE),
                    lambda b, perm, ids: (perm[b], 0, (NUM_PATCHES - 1) // 8, 0),
                ),
                pl.BlockSpec(memory_space=pltpu.SMEM),
                pl.BlockSpec(
                    (8, HIDDEN_SIZE),
                    lambda b, perm, ids: ((NUM_PATCHES - 1) // 8, 0),
                ),
            ] + [
                pl.BlockSpec(
                    (pl.Element(NUM_ASPECT), pl.Element(HIDDEN_SIZE)),
                    (lambda t: lambda b, perm, ids: (0, pl.multiple_of(t * ROW + runt_col, 1280)))(t),
                )
                for t in range(MAX_NUM_TILES)
            ],
            out_specs=pl.BlockSpec(
                (1, MAX_NUM_TILES, 1, HIDDEN_SIZE),
                lambda b, perm, ids: (perm[b], 0, 0, 0),
            ),
        ),
        out_shape=jax.ShapeDtypeStruct(
            (BATCH, MAX_NUM_TILES, 1, HIDDEN_SIZE), hidden_state.dtype),
    )(perm, ids_sorted, hidden_state, gate, embedding, table, table, table, table)

    return jax.lax.dynamic_update_slice(main, runt, (0, 0, NUM_PATCHES - 1, 0))

# --- scband reference (transcript-rebuilt; emitter-appended) ---
"""Pipeline reference for scband-mllama-precomputed-position-embedding-33088428049110 (READ-ONLY COPY).

The authoritative reference and input builder live on the scoring server;
editing this copy changes nothing except your own understanding.
"""

import jax, jax.numpy as jnp
import numpy as np

MAX_NUM_TILES = 4
MAX_ASPECT_RATIO_ID = 8
IMAGE_SIZE = 448
PATCH_SIZE = 14
HIDDEN_SIZE = 1280
NUM_PATCHES = (IMAGE_SIZE // PATCH_SIZE) ** 2 + 1  # 1025
BATCH = 8


def setup_inputs(seed: int = 0) -> dict:
    key = jax.random.key(seed)
    k1, k2, k3, k4 = jax.random.split(key, 4)
    hidden_state = jax.random.normal(k1, (BATCH, MAX_NUM_TILES, NUM_PATCHES, HIDDEN_SIZE), dtype=jnp.float32)
    aspect_ratio_ids = jax.random.randint(k2, (BATCH,), 0, MAX_ASPECT_RATIO_ID + 1, dtype=jnp.int64) if jax.config.jax_enable_x64 else jax.random.randint(k2, (BATCH,), 0, MAX_ASPECT_RATIO_ID + 1).astype(jnp.int32)
    # learned parameters
    gate = jnp.array([0.3], dtype=jnp.float32)  # nn.Parameter(torch.zeros(1)) init; nonzero so tile branch contributes
    embedding = jax.random.normal(k3, (NUM_PATCHES, HIDDEN_SIZE), dtype=jnp.float32) * 0.02
    tile_embedding_weight = jax.random.normal(k4, (MAX_ASPECT_RATIO_ID + 1, MAX_NUM_TILES * NUM_PATCHES * HIDDEN_SIZE), dtype=jnp.float32) * 0.02
    return {
        "hidden_state": hidden_state,
        "aspect_ratio_ids": aspect_ratio_ids,
        "gate": gate,
        "embedding": embedding,
        "tile_embedding_weight": tile_embedding_weight,
    }


def reference(hidden_state, aspect_ratio_ids, gate, embedding, tile_embedding_weight):
    # gated_position_embedding = (1 - gate.tanh()) * embedding
    gated_position_embedding = (1.0 - jnp.tanh(gate)) * embedding
    hidden_state = hidden_state + gated_position_embedding.reshape(1, 1, NUM_PATCHES, HIDDEN_SIZE)
    # tile_position_embedding = tile_embedding(aspect_ratio_ids)  (embedding lookup)
    tile_position_embedding = jnp.take(tile_embedding_weight, aspect_ratio_ids, axis=0)
    batch_size = hidden_state.shape[0]
    tile_position_embedding = tile_position_embedding.reshape(batch_size, MAX_NUM_TILES, NUM_PATCHES, HIDDEN_SIZE)
    gated_tile_position_embedding = jnp.tanh(gate) * tile_position_embedding
    hidden_state = hidden_state + gated_tile_position_embedding
    return hidden_state

if __name__ == "__main__":
    import jax
    _d = setup_inputs()
    print(jax.jit(kernel)(*tuple(_d.values())))

</pallas_src>

<mosaic_0001>
module attributes {stable_mosaic.version = 14 : i64} {
  func.func @_runt_body(%arg0: i32, %arg1: memref<8xi32, #tpu.memory_space<smem>>, %arg2: memref<8xi32, #tpu.memory_space<smem>>, %arg3: memref<1x4x8x1280xf32, #tpu.memory_space<vmem>>, %arg4: memref<1xf32, #tpu.memory_space<smem>>, %arg5: memref<8x1280xf32, #tpu.memory_space<vmem>>, %arg6: memref<9x1280xf32, #tpu.memory_space<vmem>>, %arg7: memref<9x1280xf32, #tpu.memory_space<vmem>>, %arg8: memref<9x1280xf32, #tpu.memory_space<vmem>>, %arg9: memref<9x1280xf32, #tpu.memory_space<vmem>>, %arg10: memref<1x4x1x1280xf32, #tpu.memory_space<vmem>>) attributes {dimension_semantics = [#tpu.dimension_semantics<arbitrary>], iteration_bounds = array<i64: 8>, scalar_prefetch = 2 : i64, scratch_operands = 0 : i64, tpu.core_type = #tpu.core_type<tc>, window_params = [{transform_indices = @transform_0, window_bounds = array<i64: 1, 4, 8, 1280>}, {transform_indices = @transform_1, window_bounds = array<i64: 1>}, {transform_indices = @transform_2, window_bounds = array<i64: 8, 1280>}, {transform_indices = @transform_3, window_bounds = array<i64: 9, 1280>, window_kind = #tpu.element_window<[0, 0], [0, 0]>}, {transform_indices = @transform_4, window_bounds = array<i64: 9, 1280>, window_kind = #tpu.element_window<[0, 0], [0, 0]>}, {transform_indices = @transform_5, window_bounds = array<i64: 9, 1280>, window_kind = #tpu.element_window<[0, 0], [0, 0]>}, {transform_indices = @transform_6, window_bounds = array<i64: 9, 1280>, window_kind = #tpu.element_window<[0, 0], [0, 0]>}, {transform_indices = @transform_7, window_bounds = array<i64: 1, 4, 1, 1280>}]} {
    %get3A = arith.constant 0 : index
    %get3A_0 = memref.load %arg4[%get3A] : memref<1xf32, #tpu.memory_space<smem>>
    %tanh3A = math.tanh %get3A_0 : f32
    %get3A_1 = arith.index_cast %arg0 : i32 to index
    %get3A_2 = memref.load %arg2[%get3A_1] : memref<8xi32, #tpu.memory_space<smem>>
    %sub3A = arith.constant 1.000000e+00 : f32
    %sub3A_3 = arith.subf %sub3A, %tanh3A : f32
    %get3A_4 = arith.constant 0 : index
    %get3A_5 = arith.constant 0 : index
    %get3A_6 = vector.load %arg5[%get3A_4, %get3A_5] : memref<8x1280xf32, #tpu.memory_space<vmem>>, vector<8x1280xf32>
    %mul3A = vector.broadcast %sub3A_3 : f32 to vector<8x1280xf32>
    %mul3A_7 = arith.mulf %mul3A, %get3A_6 : vector<8x1280xf32>
    %get3A_8 = arith.constant 0 : index
    %get3A_9 = arith.constant 0 : index
    %get3A_10 = arith.constant 0 : index
    %get3A_11 = arith.constant 0 : index
    %get3A_12 = vector.load %arg3[%get3A_8, %get3A_9, %get3A_10, %get3A_11] : memref<1x4x8x1280xf32, #tpu.memory_space<vmem>>, vector<1x1x1x1280xf32>
    %get3A_13 = vector.shape_cast %get3A_12 : vector<1x1x1x1280xf32> to vector<1280xf32>
    %slice3A = vector.extract_strided_slice %mul3A_7 {offsets = [0, 0], sizes = [1, 1280], strides = [1, 1]} : vector<8x1280xf32> to vector<1x1280xf32>
    %squeeze3A = vector.shape_cast %slice3A : vector<1x1280xf32> to vector<1280xf32>
    %add3A = arith.addf %get3A_13, %squeeze3A : vector<1280xf32>
    %get3A_14 = arith.index_cast %get3A_2 : i32 to index
    %get3A_15 = arith.constant 0 : index
    %get3A_16 = vector.load %arg6[%get3A_14, %get3A_15] : memref<9x1280xf32, #tpu.memory_space<vmem>>, vector<1x1280xf32>
    %get3A_17 = vector.shape_cast %get3A_16 : vector<1x1280xf32> to vector<1280xf32>
    %mul3A_18 = vector.broadcast %tanh3A : f32 to vector<1280xf32>
    %mul3A_19 = arith.mulf %mul3A_18, %get3A_17 : vector<1280xf32>
    %add3A_20 = arith.addf %add3A, %mul3A_19 : vector<1280xf32>
    %swap3A = arith.constant 0 : index
    %swap3A_21 = arith.constant 0 : index
    %swap3A_22 = arith.constant 0 : index
    %swap3A_23 = arith.constant 0 : index
    %swap3A_24 = vector.load %arg10[%swap3A, %swap3A_21, %swap3A_22, %swap3A_23] : memref<1x4x1x1280xf32, #tpu.memory_space<vmem>>, vector<1x1x1x1280xf32>
    %swap3A_25 = vector.shape_cast %swap3A_24 : vector<1x1x1x1280xf32> to vector<1280xf32>
    %swap3A_26 = vector.shape_cast %add3A_20 : vector<1280xf32> to vector<1x1x1x1280xf32>
    tpu.vector_store %arg10[%swap3A, %swap3A_21, %swap3A_22, %swap3A_23], %swap3A_26 {strides = array<i32>} : memref<1x4x1x1280xf32, #tpu.memory_space<vmem>>, vector<1x1x1x1280xf32>,
    %get3A_27 = arith.constant 0 : index
    %get3A_28 = arith.constant 1 : index
    %get3A_29 = arith.constant 0 : index
    %get3A_30 = arith.constant 0 : index
    %get3A_31 = vector.load %arg3[%get3A_27, %get3A_28, %get3A_29, %get3A_30] : memref<1x4x8x1280xf32, #tpu.memory_space<vmem>>, vector<1x1x1x1280xf32>
    %get3A_32 = vector.shape_cast %get3A_31 : vector<1x1x1x1280xf32> to vector<1280xf32>
    %slice3A_33 = vector.extract_strided_slice %mul3A_7 {offsets = [0, 0], sizes = [1, 1280], strides = [1, 1]} : vector<8x1280xf32> to vector<1x1280xf32>
    %squeeze3A_34 = vector.shape_cast %slice3A_33 : vector<1x1280xf32> to vector<1280xf32>
    %add3A_35 = arith.addf %get3A_32, %squeeze3A_34 : vector<1280xf32>
    %get3A_36 = arith.index_cast %get3A_2 : i32 to index
    %get3A_37 = arith.constant 0 : index
    %get3A_38 = vector.load %arg7[%get3A_36, %get3A_37] : memref<9x1280xf32, #tpu.memory_space<vmem>>, vector<1x1280xf32>
    %get3A_39 = vector.shape_cast %get3A_38 : vector<1x1280xf32> to vector<1280xf32>
    %mul3A_40 = vector.broadcast %tanh3A : f32 to vector<1280xf32>
    %mul3A_41 = arith.mulf %mul3A_40, %get3A_39 : vector<1280xf32>
    %add3A_42 = arith.addf %add3A_35, %mul3A_41 : vector<1280xf32>
    %swap3A_43 = arith.constant 0 : index
    %swap3A_44 = arith.constant 1 : index
    %swap3A_45 = arith.constant 0 : index
    %swap3A_46 = arith.constant 0 : index
    %swap3A_47 = vector.load %arg10[%swap3A_43, %swap3A_44, %swap3A_45, %swap3A_46] : memref<1x4x1x1280xf32, #tpu.memory_space<vmem>>, vector<1x1x1x1280xf32>
    %swap3A_48 = vector.shape_cast %swap3A_47 : vector<1x1x1x1280xf32> to vector<1280xf32>
    %swap3A_49 = vector.shape_cast %add3A_42 : vector<1280xf32> to vector<1x1x1x1280xf32>
    tpu.vector_store %arg10[%swap3A_43, %swap3A_44, %swap3A_45, %swap3A_46], %swap3A_49 {strides = array<i32>} : memref<1x4x1x1280xf32, #tpu.memory_space<vmem>>, vector<1x1x1x1280xf32>,
    %get3A_50 = arith.constant 0 : index
    %get3A_51 = arith.constant 2 : index
    %get3A_52 = arith.constant 0 : index
    %get3A_53 = arith.constant 0 : index
    %get3A_54 = vector.load %arg3[%get3A_50, %get3A_51, %get3A_52, %get3A_53] : memref<1x4x8x1280xf32, #tpu.memory_space<vmem>>, vector<1x1x1x1280xf32>
    %get3A_55 = vector.shape_cast %get3A_54 : vector<1x1x1x1280xf32> to vector<1280xf32>
    %slice3A_56 = vector.extract_strided_slice %mul3A_7 {offsets = [0, 0], sizes = [1, 1280], strides = [1, 1]} : vector<8x1280xf32> to vector<1x1280xf32>
    %squeeze3A_57 = vector.shape_cast %slice3A_56 : vector<1x1280xf32> to vector<1280xf32>
    %add3A_58 = arith.addf %get3A_55, %squeeze3A_57 : vector<1280xf32>
    %get3A_59 = arith.index_cast %get3A_2 : i32 to index
    %get3A_60 = arith.constant 0 : index
    %get3A_61 = vector.load %arg8[%get3A_59, %get3A_60] : memref<9x1280xf32, #tpu.memory_space<vmem>>, vector<1x1280xf32>
    %get3A_62 = vector.shape_cast %get3A_61 : vector<1x1280xf32> to vector<1280xf32>
    %mul3A_63 = vector.broadcast %tanh3A : f32 to vector<1280xf32>
    %mul3A_64 = arith.mulf %mul3A_63, %get3A_62 : vector<1280xf32>
    %add3A_65 = arith.addf %add3A_58, %mul3A_64 : vector<1280xf32>
    %swap3A_66 = arith.constant 0 : index
    %swap3A_67 = arith.constant 2 : index
    %swap3A_68 = arith.constant 0 : index
    %swap3A_69 = arith.constant 0 : index
    %swap3A_70 = vector.load %arg10[%swap3A_66, %swap3A_67, %swap3A_68, %swap3A_69] : memref<1x4x1x1280xf32, #tpu.memory_space<vmem>>, vector<1x1x1x1280xf32>
    %swap3A_71 = vector.shape_cast %swap3A_70 : vector<1x1x1x1280xf32> to vector<1280xf32>
    %swap3A_72 = vector.shape_cast %add3A_65 : vector<1280xf32> to vector<1x1x1x1280xf32>
    tpu.vector_store %arg10[%swap3A_66, %swap3A_67, %swap3A_68, %swap3A_69], %swap3A_72 {strides = array<i32>} : memref<1x4x1x1280xf32, #tpu.memory_space<vmem>>, vector<1x1x1x1280xf32>,
    %get3A_73 = arith.constant 0 : index
    %get3A_74 = arith.constant 3 : index
    %get3A_75 = arith.constant 0 : index
    %get3A_76 = arith.constant 0 : index
    %get3A_77 = vector.load %arg3[%get3A_73, %get3A_74, %get3A_75, %get3A_76] : memref<1x4x8x1280xf32, #tpu.memory_space<vmem>>, vector<1x1x1x1280xf32>
    %get3A_78 = vector.shape_cast %get3A_77 : vector<1x1x1x1280xf32> to vector<1280xf32>
    %slice3A_79 = vector.extract_strided_slice %mul3A_7 {offsets = [0, 0], sizes = [1, 1280], strides = [1, 1]} : vector<8x1280xf32> to vector<1x1280xf32>
    %squeeze3A_80 = vector.shape_cast %slice3A_79 : vector<1x1280xf32> to vector<1280xf32>
    %add3A_81 = arith.addf %get3A_78, %squeeze3A_80 : vector<1280xf32>
    %get3A_82 = arith.index_cast %get3A_2 : i32 to index
    %get3A_83 = arith.constant 0 : index
    %get3A_84 = vector.load %arg9[%get3A_82, %get3A_83] : memref<9x1280xf32, #tpu.memory_space<vmem>>, vector<1x1280xf32>
    %get3A_85 = vector.shape_cast %get3A_84 : vector<1x1280xf32> to vector<1280xf32>
    %mul3A_86 = vector.broadcast %tanh3A : f32 to vector<1280xf32>
    %mul3A_87 = arith.mulf %mul3A_86, %get3A_85 : vector<1280xf32>
    %add3A_88 = arith.addf %add3A_81, %mul3A_87 : vector<1280xf32>
    %swap3A_89 = arith.constant 0 : index
    %swap3A_90 = arith.constant 3 : index
    %swap3A_91 = arith.constant 0 : index
    %swap3A_92 = arith.constant 0 : index
    %swap3A_93 = vector.load %arg10[%swap3A_89, %swap3A_90, %swap3A_91, %swap3A_92] : memref<1x4x1x1280xf32, #tpu.memory_space<vmem>>, vector<1x1x1x1280xf32>
    %swap3A_94 = vector.shape_cast %swap3A_93 : vector<1x1x1x1280xf32> to vector<1280xf32>
    %swap3A_95 = vector.shape_cast %add3A_88 : vector<1280xf32> to vector<1x1x1x1280xf32>
    tpu.vector_store %arg10[%swap3A_89, %swap3A_90, %swap3A_91, %swap3A_92], %swap3A_95 {strides = array<i32>} : memref<1x4x1x1280xf32, #tpu.memory_space<vmem>>, vector<1x1x1x1280xf32>,
    return
  }
  func.func @transform_0(%arg0: i32, %arg1: memref<8xi32, #tpu.memory_space<smem>>, %arg2: memref<8xi32, #tpu.memory_space<smem>>) -> (i32, i32, i32, i32) {
    %get3A = arith.index_cast %arg0 : i32 to index
    %get3A_0 = memref.load %arg1[%get3A] : memref<8xi32, #tpu.memory_space<smem>>
    %c0_i32 = arith.constant 0 : i32
    %c128_i32 = arith.constant 128 : i32
    %c0_i32_1 = arith.constant 0 : i32
    %c0_i32_2 = arith.constant 0 : i32
    return %get3A_0, %c0_i32, %c128_i32, %c0_i32_1 : i32, i32, i32, i32
  }
  func.func @transform_1(%arg0: i32, %arg1: memref<8xi32, #tpu.memory_space<smem>>, %arg2: memref<8xi32, #tpu.memory_space<smem>>) -> i32 {
    %c0_i32 = arith.constant 0 : i32
    %c0_i32_0 = arith.constant 0 : i32
    return %c0_i32 : i32
  }
  func.func @transform_2(%arg0: i32, %arg1: memref<8xi32, #tpu.memory_space<smem>>, %arg2: memref<8xi32, #tpu.memory_space<smem>>) -> (i32, i32) {
    %c128_i32 = arith.constant 128 : i32
    %c0_i32 = arith.constant 0 : i32
    %c0_i32_0 = arith.constant 0 : i32
    return %c128_i32, %c0_i32 : i32, i32
  }
  func.func @transform_3(%arg0: i32, %arg1: memref<8xi32, #tpu.memory_space<smem>>, %arg2: memref<8xi32, #tpu.memory_space<smem>>) -> (i32, i32) {
    %multiple_of3A = arith.constant 1310720 : i32
    %multiple_of3A_0 = tpu.assume_multiple %multiple_of3A, 1280 : i32
    %c0_i32 = arith.constant 0 : i32
    %c0_i32_1 = arith.constant 0 : i32
    return %c0_i32, %multiple_of3A_0 : i32, i32
  }
  func.func @transform_4(%arg0: i32, %arg1: memref<8xi32, #tpu.memory_space<smem>>, %arg2: memref<8xi32, #tpu.memory_space<smem>>) -> (i32, i32) {
    %multiple_of3A = arith.constant 2622720 : i32
    %multiple_of3A_0 = tpu.assume_multiple %multiple_of3A, 1280 : i32
    %c0_i32 = arith.constant 0 : i32
    %c0_i32_1 = arith.constant 0 : i32
    return %c0_i32, %multiple_of3A_0 : i32, i32
  }
  func.func @transform_5(%arg0: i32, %arg1: memref<8xi32, #tpu.memory_space<smem>>, %arg2: memref<8xi32, #tpu.memory_space<smem>>) -> (i32, i32) {
    %multiple_of3A = arith.constant 3934720 : i32
    %multiple_of3A_0 = tpu.assume_multiple %multiple_of3A, 1280 : i32
    %c0_i32 = arith.constant 0 : i32
    %c0_i32_1 = arith.constant 0 : i32
    return %c0_i32, %multiple_of3A_0 : i32, i32
  }
  func.func @transform_6(%arg0: i32, %arg1: memref<8xi32, #tpu.memory_space<smem>>, %arg2: memref<8xi32, #tpu.memory_space<smem>>) -> (i32, i32) {
    %multiple_of3A = arith.constant 5246720 : i32
    %multiple_of3A_0 = tpu.assume_multiple %multiple_of3A, 1280 : i32
    %c0_i32 = arith.constant 0 : i32
    %c0_i32_1 = arith.constant 0 : i32
    return %c0_i32, %multiple_of3A_0 : i32, i32
  }
  func.func @transform_7(%arg0: i32, %arg1: memref<8xi32, #tpu.memory_space<smem>>, %arg2: memref<8xi32, #tpu.memory_space<smem>>) -> (i32, i32, i32, i32) {
    %get3A = arith.index_cast %arg0 : i32 to index
    %get3A_0 = memref.load %arg1[%get3A] : memref<8xi32, #tpu.memory_space<smem>>
    %c0_i32 = arith.constant 0 : i32
    %c0_i32_1 = arith.constant 0 : i32
    %c0_i32_2 = arith.constant 0 : i32
    %c0_i32_3 = arith.constant 0 : i32
    return %get3A_0, %c0_i32, %c0_i32_1, %c0_i32_2 : i32, i32, i32, i32
  }
}

module attributes {stable_mosaic.version = 14 : i64} {
  func.func @_main_body(%arg0: i32, %arg1: i32, %arg2: i32, %arg3: memref<8xi32, #tpu.memory_space<smem>>, %arg4: memref<8xi32, #tpu.memory_space<smem>>, %arg5: memref<1x1x128x1280xf32, #tpu.memory_space<vmem>>, %arg6: memref<1xf32, #tpu.memory_space<smem>>, %arg7: memref<128x1280xf32, #tpu.memory_space<vmem>>, %arg8: memref<9x163840xf32, #tpu.memory_space<vmem>>, %arg9: memref<1x1x128x1280xf32, #tpu.memory_space<vmem>>) attributes {dimension_semantics = [#tpu.dimension_semantics<arbitrary>, #tpu.dimension_semantics<arbitrary>, #tpu.dimension_semantics<arbitrary>], iteration_bounds = array<i64: 4, 8, 8>, scalar_prefetch = 2 : i64, scratch_operands = 0 : i64, tpu.core_type = #tpu.core_type<tc>, window_params = [{transform_indices = @transform_0, window_bounds = array<i64: 1, 1, 128, 1280>}, {transform_indices = @transform_1, window_bounds = array<i64: 1>}, {transform_indices = @transform_2, window_bounds = array<i64: 128, 1280>}, {transform_indices = @transform_3, window_bounds = array<i64: 9, 163840>, window_kind = #tpu.element_window<[0, 0], [0, 0]>}, {transform_indices = @transform_4, window_bounds = array<i64: 1, 1, 128, 1280>}]} {
    %get3A = arith.constant 0 : index
    %get3A_0 = memref.load %arg6[%get3A] : memref<1xf32, #tpu.memory_space<smem>>
    %tanh3A = math.tanh %get3A_0 : f32
    %get3A_1 = arith.index_cast %arg2 : i32 to index
    %get3A_2 = memref.load %arg4[%get3A_1] : memref<8xi32, #tpu.memory_space<smem>>
    %get3A_3 = arith.index_cast %get3A_2 : i32 to index
    %get3A_4 = arith.constant 0 : index
    %get3A_5 = vector.load %arg8[%get3A_3, %get3A_4] : memref<9x163840xf32, #tpu.memory_space<vmem>>, vector<1x163840xf32>
    %get3A_6 = vector.shape_cast %get3A_5 : vector<1x163840xf32> to vector<163840xf32>
    %reshape3A = vector.shape_cast %get3A_6 : vector<163840xf32> to vector<128x1280xf32>
    %get3A_7 = arith.constant 0 : index
    %get3A_8 = arith.constant 0 : index
    %get3A_9 = arith.constant 0 : index
    %get3A_10 = arith.constant 0 : index
    %get3A_11 = vector.load %arg5[%get3A_7, %get3A_8, %get3A_9, %get3A_10] : memref<1x1x128x1280xf32, #tpu.memory_space<vmem>>, vector<1x1x128x1280xf32>
    %get3A_12 = vector.shape_cast %get3A_11 : vector<1x1x128x1280xf32> to vector<128x1280xf32>
    %sub3A = arith.constant 1.000000e+00 : f32
    %sub3A_13 = arith.subf %sub3A, %tanh3A : f32
    %get3A_14 = arith.constant 0 : index
    %get3A_15 = arith.constant 0 : index
    %get3A_16 = vector.load %arg7[%get3A_14, %get3A_15] : memref<128x1280xf32, #tpu.memory_space<vmem>>, vector<128x1280xf32>
    %mul3A = vector.broadcast %sub3A_13 : f32 to vector<128x1280xf32>
    %mul3A_17 = arith.mulf %mul3A, %get3A_16 : vector<128x1280xf32>
    %add3A = arith.addf %get3A_12, %mul3A_17 : vector<128x1280xf32>
    %mul3A_18 = vector.broadcast %tanh3A : f32 to vector<128x1280xf32>
    %mul3A_19 = arith.mulf %mul3A_18, %reshape3A : vector<128x1280xf32>
    %add3A_20 = arith.addf %add3A, %mul3A_19 : vector<128x1280xf32>
    %swap3A = arith.constant 0 : index
    %swap3A_21 = arith.constant 0 : index
    %swap3A_22 = arith.constant 0 : index
    %swap3A_23 = arith.constant 0 : index
    %swap3A_24 = vector.load %arg9[%swap3A, %swap3A_21, %swap3A_22, %swap3A_23] : memref<1x1x128x1280xf32, #tpu.memory_space<vmem>>, vector<1x1x128x1280xf32>
    %swap3A_25 = vector.shape_cast %swap3A_24 : vector<1x1x128x1280xf32> to vector<128x1280xf32>
    %swap3A_26 = vector.shape_cast %add3A_20 : vector<128x1280xf32> to vector<1x1x128x1280xf32>
    tpu.vector_store %arg9[%swap3A, %swap3A_21, %swap3A_22, %swap3A_23], %swap3A_26 {strides = array<i32>} : memref<1x1x128x1280xf32, #tpu.memory_space<vmem>>, vector<1x1x128x1280xf32>,
    return
  }
  func.func @transform_0(%arg0: i32, %arg1: i32, %arg2: i32, %arg3: memref<8xi32, #tpu.memory_space<smem>>, %arg4: memref<8xi32, #tpu.memory_space<smem>>) -> (i32, i32, i32, i32) {
    %get3A = arith.index_cast %arg2 : i32 to index
    %get3A_0 = memref.load %arg3[%get3A] : memref<8xi32, #tpu.memory_space<smem>>
    %c0_i32 = arith.constant 0 : i32
    %c0_i32_1 = arith.constant 0 : i32
    return %get3A_0, %arg0, %arg1, %c0_i32 : i32, i32, i32, i32
  }
  func.func @transform_1(%arg0: i32, %arg1: i32, %arg2: i32, %arg3: memref<8xi32, #tpu.memory_space<smem>>, %arg4: memref<8xi32, #tpu.memory_space<smem>>) -> i32 {
    %c0_i32 = arith.constant 0 : i32
    %c0_i32_0 = arith.constant 0 : i32
    return %c0_i32 : i32
  }
  func.func @transform_2(%arg0: i32, %arg1: i32, %arg2: i32, %arg3: memref<8xi32, #tpu.memory_space<smem>>, %arg4: memref<8xi32, #tpu.memory_space<smem>>) -> (i32, i32) {
    %c0_i32 = arith.constant 0 : i32
    %c0_i32_0 = arith.constant 0 : i32
    return %arg1, %c0_i32 : i32, i32
  }
  func.func @transform_3(%arg0: i32, %arg1: i32, %arg2: i32, %arg3: memref<8xi32, #tpu.memory_space<smem>>, %arg4: memref<8xi32, #tpu.memory_space<smem>>) -> (i32, i32) {
    %mul3A = arith.constant 1312000 : i32
    %mul3A_0 = arith.muli %arg0, %mul3A : i32
    %mul3A_1 = arith.constant 163840 : i32
    %mul3A_2 = arith.muli %arg1, %mul3A_1 : i32
    %add3A = arith.addi %mul3A_0, %mul3A_2 : i32
    %multiple_of3A = tpu.assume_multiple %add3A, 1280 : i32
    %c0_i32 = arith.constant 0 : i32
    %c0_i32_3 = arith.constant 0 : i32
    return %c0_i32, %multiple_of3A : i32, i32
  }
  func.func @transform_4(%arg0: i32, %arg1: i32, %arg2: i32, %arg3: memref<8xi32, #tpu.memory_space<smem>>, %arg4: memref<8xi32, #tpu.memory_space<smem>>) -> (i32, i32, i32, i32) {
    %get3A = arith.index_cast %arg2 : i32 to index
    %get3A_0 = memref.load %arg3[%get3A] : memref<8xi32, #tpu.memory_space<smem>>
    %c0_i32 = arith.constant 0 : i32
    %c0_i32_1 = arith.constant 0 : i32
    return %get3A_0, %arg0, %arg1, %c0_i32 : i32, i32, i32, i32
  }
}

</mosaic_0001>

<sc_bundles>
// kernel: sparse-core-data-format-call.cloned.1.call-start
scs
called_computation_lowered:
.L_overlay_start_0:
0x0: {  	s2 =	sld [smem:$0x3FD9]  }
0x1: {  	s3 =	sld [smem:$0x3FFE];
	_ =	sdelay $0x1  }
0x2: {  	s1 =	srdreg.scid  }
0x3: {  	s0 =	sand.u32 $0x1, s1  }
0x4: {  	s18 =	sshll.u32 s0, $0xA;
	s2 =	sadd.s32 s3, s2  }
0x5: {  	s2 =	sadd.s32 s2, s18  }
0x6: {  	[smem:$0x3FC3] =	sst s2  }
0x7: {  	_ = 	snop  }
0x8: {  	s2 =	sld [smem:$0x3FD0];
	(tm) =	ssettm $0x1  }
0x9: {  	s19 =	sld [smem:$0x3FFB];
	_ =	sdelay $0x3  }
0xa: {  	_ =	strace s19  }
0xb: {  	s3 =	sld [smem:$0x3FFC];
	_ =	sdelay $0x3  }
0xc: {  	_ =	strace s3  }
0xd: {  	s3 =	sld [smem:$0x3FFD];
	_ =	sdelay $0x3  }
0xe: {  	_ =	strace s3  }
0xf: {  	_ =	strace $0x8FFFFFFF  }
0x10: {  	s20 =	sld [smem:$0x3FDB];
	_ =	sdelay $0x1  }
0x11: {  	s4 =	simm.s32 $_scs_section_size  }
0x12: {  	s5 =	simm.s32 $_size__tile_overlayer_lowered;
	s6 =	simm.s32 $_tile_overlayer_lowered  }
0x13: {  	s23 =	simm.s32 $0x1BFF;
	s22 =	sshll.u32 s6, $0x1;
	s3 =	sadd.s32 s4, s20  }
0x14: {  	s7 =	simm.s32 $0x0;
	s21 =	sshll.u32 s5, $0x1;
	s5 =	sadd.s32 s22, s3  }
0x15: {  	[timem:s7], [sflag:s23] =	dma.local [hbm:s5], s21  }
0x16: {  	_ =	swait.ge [sflag:s23], s21  }
0x17: {  	s4 =	ssub.s32 $0x0, s21;
	[sflag:s23] =	ssyncset.done $0x0  }
0x18: {  	[sflag:s23] =	ssyncadd.s32 s4;
	_ =	sdelay $0x1  }
0x19: {  	s24 =	simm.s32 $0x1B8B  }
0x1a: {  	_ =	swait.ge [sflag:s24], $0x1  }
0x1b: {  	[sflag:s24] =	ssyncset.done $0x0  }
0x1c: {  	s26 =	simm.s32 $0x1B8E;
	s25 =	sld [smem:$0x3FFE];
	[sflag:s24] =	ssyncadd.s32 $0xFFFFFFFF  }
0x1d: {  	s27 =	simm.s32 $execute0_lowered;
	[smem:$0x3FD2] =	sst s26  }
0x1e: {  	s5 =	sshll.u32 s27, $0x1;
	_ =	strace $0x80000046;
	[dreg:$0x1] =	wrdreg $0xFFFFFFFF  }
0x1f: {  	s28 =	simm.s32 $_size_execute0_lowered;
	s3 =	sadd.s32 s3, s5;
	[dreg:$0x0] =	wrdreg $0x0  }
0x20: {  	s5 =	sshll.u32 s28, $0x1;
	[dreg:$0x2] =	wrdreg s3  }
0x21: {  	[dreg:$0x3] =	wrdreg s5  }
0x22: {  	[dreg:$0x4] =	wrdreg $0xC0  }
0x23: {  	_ =	task [dreg:s7], $0x5FFFF  }
0x24: {  	[dreg:$0x1] =	wrdreg $0xFFFFFFFF  }
0x25: {  	[dreg:$0x0] =	wrdreg $0x60  }
0x26: {  	[dreg:$0x2] =	wrdreg s25  }
0x27: {  	[dreg:$0x3] =	wrdreg s2  }
0x28: {  	[dreg:$0x4] =	wrdreg $0x9  }
0x29: {  	_ =	task.clear_ibuf [dreg:s7], $0x5FFFF;
	_ =	strace $0x90000046  }
0x2a: {  	s29 =	simm.s32 $0x9;
	_ =	strace $0x80000048  }
0x2b: {  	_ =	swait.ge [sflag:s29], $0x1  }
0x2c: {  	[sflag:s29] =	ssyncadd.s32 $0xFFFFFFFF  }
0x2d: {  	_ =	strace $0x90000048  }
0x2e: {  	_ =	sfence  }
0x2f: {  	s30 =	sld [smem:$0x0];
	_ =	sdelay $0x2  }
0x30: {  	s31 =	sshll.u32 s1, $0xD;
	s1 =	sshrl.u32 s1, $0x2  }
0x31: {  	s3 =	sand.u32 $0x4000, s31;
	s1 =	sadd.s32 s1, s30  }
0x32: {  	s0 =	sor.u32 s3, s0;
	s1 =	sshll.u32 s1, $0x11  }
0x33: {  	s0 =	sor.u32 s1, s0  }
0x34: {  	s0 =	sadd.s32 $0x8F2B, s0  }
0x35: {  	[sflag:s0] =	ssyncadd.remote.s32 $0x1  }
0x36: {  	_ =	sfence.sel $0xFFFF  }
0x37: {  	[dreg:$0x0] =	wrdreg $0xFFFFFFFF;
	(pc) =	sbr.abs _section_cstart, $3  }
0x38: {  	[dreg:$0x1] =	wrdreg $0xFFFFFFFF  }
0x39: {  	_ =	task.clear_ibuf [dreg:s7], $0x2FFFF;
	_ =	strace $0x9FFFFFFF  }
0x3a: {  	(tm) =	ssettm $0x7FFFFFFF  }
0x3b: {  	_ =	shalt  }
tec
execute0_lowered:
.L_overlay_start_1:
0x0: {  	(tag) =	ssettag $0x1  }
0x1: {  	s0 =	rddreg [dreg:$0x0]  }
0x2: {  	s1 =	srdreg.scid;
	_ =	strace $0x80000047;
	s2 =	stileid.u32  }
0x3: {  	s30 =	simm.s32 $0x1;
	s31 =	simm.s32 $0x2;
	s22 =	simm.s32 $0x0  }
0x4: {  	s20 =	simm.s32 $0x0;
	s19 =	simm.s32 $0x0;
	s21 =	simm.s32 $0x0  }
0x5: {  	s9 =	simm.s32 $0x0;
	s10 =	simm.s32 $0x0;
	s12 =	simm.s32 $0x0  }
0x6: {  	s18 =	simm.s32 $0x0;
	s13 =	simm.s32 $0x0;
	s15 =	simm.s32 $0x0  }
.Ltmp0:
0x7: {  	s11 =	simm.s32 $0x0;
	s1 =	sshll.u32 s1, $0x4;
	(pc) =	sbr.rel .LBB1_1-.Ltmp0, $4  }
0x8: {  	s0 =	sadd.s32 $0x50A000, s0;
	s8 =	sand.u32 $0x7, s2;
	s1 =	sand.u32 $0x10, s1  }
0x9: {  	[sflag:s30] =	ssyncpa.u1 $0x0;
	[dreg:$0x3] =	wrdreg s0;
	s29 =	sor.u32 s2, s1  }
0xa: {  	[sflag:s31] =	ssyncpa.u1 $0x0;
	[dreg:$0x4] =	wrdreg s8;
	s14 =	sshrl.u32 s29, $0x3  }
0xb: {  	s17 =	smov.u32 s8;
	s16 =	smov.u32 s14;
	[dreg:$0x5] =	wrdreg s14  }
.LBB1_18:
0xc: {  	s0 =	sshrl.u32 s12, $0x2  }
0xd: {  	s1 =	sshll.u32 s9, $0x2;
	s2 =	sshll.u32 s12, $0x7;
	s4 =	rddreg [dreg:$0x9]  }
0xe: {  	s18 =	sand.u32 $0x7F, s9;
	s22 =	rddreg [dreg:$0x8];
	s0 =	smul.u32 $0x1400, s0  }
0xf: {  	p0 =	sgt.s32 s10, $0x381;
	s23 =	rddreg [dreg:$0xa];
	s1 =	sand.u32 $0xFFFFFE00, s1  }
0x10: {  	s5 =	smul.u32 $0x280, s10;
	s14 =	sand.u32 $0x180, s2;
	s0 =	sadd.s32 s0, s1  }
0x11: {  	s26 =	rddreg [dreg:$0x1];
	s1 =	smov.u32 s10;
	s0 =	sor.u32 s14, s0  }
0x12: {  	s1 =	simm.s32 @!p0 $0x381;
	s2 =	sor.u32 s18, s0;
	s0 =	smulhi.u32 $0xCCCCCCCD, s0  }
0x13: {  	s29 =	sor.u32 $0x8000, s25;
	s1 =	sadd.s32 s4, s1;
	s3 =	smulhi.u32 $0xCCCCCCCD, s2  }
0x14: {  	s18 =	rddreg [dreg:$0x6];
	s4 =	sadd.s32 $0xFFFFFC7F, s1;
	s1 =	ssub.s32 $0x401, s1  }
0x15: {  	s24 =	smul.u32 $0xA0280, s18;
	p0 =	sgt.s32 s4, $0x7F;
	s3 =	sshrl.u32 s3, $0xA  }
0x16: {  	s0 =	sshrl.u32 s0, $0xA;
	s1 =	simm.s32 @p0 $0x0;
	s3 =	smul.u32 $0x500, s3  }
0x17: {  	s8 =	rddreg [dreg:$0x4];
	s0 =	sand.u32 $0x3, s0;
	s1 =	smul.u32 s1, s22  }
0x18: {  	s31 =	simm.s32 $0x1400;
	s14 =	rddreg [dreg:$0x5];
	s0 =	smul.u32 $0xA0, s0  }
0x19: {  	s22 =	rddreg [dreg:$0x7];
	s2 =	ssub.s32 s2, s3;
	s3 =	sadd.s32 s26, s24  }
0x1a: {  	s1 =	smul.u32 s23, s1;
	s3 =	sadd.s32 s5, s3;
	s27 =	sand.u32 $0x7, s2  }
0x1b: {  	s2 =	sshrl.u32 s2, $0x3;
	s0 =	sadd.s32 s0, s3;
	s28 =	sshll.u32 s27, $0x12  }
0x1c: {  	s1 =	sand.u32 $0x3FFFFFFF, s1;
	s0 =	sadd.s32 s2, s0;
	s30 =	sor.u32 $0x80, s28  }
0x1d: {  	[hbm4b:s0+s30] =	stream.strided.scatter [tilespmem:s29], [sflag:$0x2], s1, s31, s30, $0x38;
	[tilespmem:$0x10000] =	vst v63  }
.LBB1_19:
0x1e: {  	p0 =	slt.u32 s11, $0x2  }
0x1f: {  	s0 =	smov.u32 s21;
	s5 =	smov.u32 s15;
	p1 =	sgt.s32 @!p0 s21, $0x7  }
0x20: {  	s11 =	sadd.s32 $0x1, s11;
	s1 =	sshra.s32 @!p0 s21, $0x1F;
	p1 =	por !p1, p0  }
0x21: {  	p2 =	sgt.s32 @!p0 s20, $0x381;
	s1 =	sand.u32 @!p0 s1, s21;
	s0 =	simm.s32 @p1 $0x7  }
0x22: {  	s2 =	sshra.s32 @!p0 s20, $0x1F;
	s3 =	sshra.s32 @!p0 s19, $0x1F;
	s0 =	ssub.s32 @!p0 s0, s1  }
0x23: {  	p2 =	por !p2, p0;
	s2 =	sand.u32 @!p0 s2, s20;
	s1 =	sadd.s32 @!p0 $0xFFFFFFF9, s0  }
0x24: {  	s3 =	sand.u32 @!p0 s3, s19;
	p1 =	sgt.s32 @!p0 s1, $0x0;
	s1 =	smov.u32 s20  }
0x25: {  	s21 =	smov.u32 s18;
	s0 =	ssub.s32 @!p0 $0x8, s0;
	s1 =	simm.s32 @p2 $0x381  }
0x26: {  	p1 =	por !p1, p0;
	p2 =	sgt.s32 @!p0 s19, $0x3;
	s1 =	ssub.s32 @!p0 s1, s2  }
0x27: {  	p2 =	por !p2, p0;
	s2 =	smov.u32 s19;
	s0 =	simm.s32 @!p1 $0x0  }
0x28: {  	p1 =	sgt.s32 @!p0 s22, $0x480;
	s2 =	simm.s32 @p2 $0x3;
	s4 =	sadd.s32 @!p0 $0xFFFFFC7F, s1  }
0x29: {  	p1 =	por !p1, p0;
	s1 =	ssub.s32 @!p0 $0x401, s1;
	s2 =	ssub.s32 @!p0 s2, s3  }
0x2a: {  	p2 =	sgt.s32 @!p0 s4, $0x7F;
	s4 =	smov.u32 s22;
	s3 =	sadd.s32 @!p0 $0xFFFFFFFD, s2  }
0x2b: {  	s4 =	simm.s32 @p1 $0x480;
	p1 =	sgt.s32 @!p0 s3, $0x0;
	s3 =	sshra.s32 @!p0 s22, $0x1F  }
0x2c: {  	s2 =	ssub.s32 @!p0 $0x4, s2;
	s3 =	sand.u32 @!p0 s3, s22;
	p1 =	por !p1, p0  }
0x2d: {  	p2 =	por !p2, p0;
	s3 =	ssub.s32 @!p0 s4, s3;
	s2 =	simm.s32 @!p1 $0x0  }
0x2e: {  	s1 =	simm.s32 @!p2 $0x0;
	s4 =	sadd.s32 @!p0 $0xFFFFFB80, s3;
	s0 =	smul.u32 @!p0 s0, s2  }
0x2f: {  	s2 =	sadd.s32 $0x80, s13;
	s3 =	ssub.s32 @!p0 $0x500, s3;
	p1 =	sgt.s32 @!p0 s4, $0x7F  }
0x30: {  	p2 =	sgt.s32 s2, $0x4FF;
	s4 =	sadd.s32 $0x80, s15;
	p1 =	por !p1, p0  }
0x31: {  	s0 =	smul.u32 @!p0 s1, s0;
	s5 =	smov.u32 @p2 s4;
	s1 =	sadd.s32 $0x4, s16  }
0x32: {  	s4 =	smov.u32 s16;
	s3 =	simm.s32 @!p1 $0x0;
	p1 =	sgt.s32 s5, $0x400  }
0x33: {  	s2 =	simm.s32 @p2 $0x0;
	s0 =	smul.u32 @!p0 s3, s0;
	s4 =	smov.u32 @p1 s1  }
0x34: {  	s1 =	sadd.s32 $0x8, s17;
	s3 =	smov.u32 s17;
	p2 =	sgt.s32 s4, $0x3  }
0x35: {  	s18 =	smov.u32 s17;
	s20 =	smov.u32 s10;
	s3 =	smov.u32 @p2 s1  }
0x36: {  	s10 =	smov.u32 s15;
	s5 =	simm.s32 @p1 $0x0;
	p1 =	sgt.s32 s3, $0x7  }
0x37: {  	s19 =	smov.u32 s12;
	s3 =	smov.u32 @p1 s8;
	p1 =	sne.s32 s11, $0x5C  }
.Ltmp1:
0x38: {  	s12 =	smov.u32 s16;
	s22 =	smov.u32 s9;
	(pc) =	sbr.rel @!p1 .LBB1_20-.Ltmp1, $4  }
0x39: {  	s9 =	smov.u32 s13;
	s0 =	sand.u32 @!p0 $0x3FFFFFFF, s0;
	s1 =	simm.s32 @!p0 $0x2  }
0x3a: {  	s13 =	smov.u32 s2;
	s15 =	smov.u32 s5;
	_ =	swait.ge @!p0 [sflag:s1], s0  }
0x3b: {  	s4 =	smov.u32 @p2 s14;
	s0 =	ssub.s32 @!p0 $0x0, s0;
	[sflag:s1] =	ssyncset.done @!p0 $0x0  }
0x3c: {  	s16 =	smov.u32 s4;
	[sflag:s1] =	ssyncadd.s32 @!p0 s0;
	s17 =	smov.u32 s3  }
.LBB1_1:
0x3d: {  	p0 =	sgt.u32 s11, $0x59  }
.Ltmp2:
0x3e: {  	_ = 	snop;
	(pc) =	sbr.rel @p0 .LBB1_3-.Ltmp2, $1  }
0x3f: {  	_ =	sdelay $0x3  }
0x40: {  	s0 =	sshrl.u32 s15, $0x3  }
0x41: {  	s1 =	sshll.u32 s13, $0x3;
	s0 =	smul.u32 $0x2800, s0  }
0x42: {  	s2 =	sshll.u32 s15, $0x7;
	s1 =	sand.u32 $0xFFFFFC00, s1  }
0x43: {  	s24 =	sand.u32 $0x380, s2;
	s0 =	sadd.s32 s0, s1  }
0x44: {  	s25 =	sand.u32 $0x7F, s13;
	p0 =	sgt.s32 s17, $0x7;
	s0 =	sor.u32 s24, s0  }
0x45: {  	s3 =	smov.u32 s17;
	s4 =	sshra.s32 s17, $0x1F;
	s1 =	sor.u32 s25, s0  }
0x46: {  	s5 =	sxor.u32 $0xFFFFFFFF, s11;
	s28 =	sshra.s32 s16, $0x1F;
	s2 =	smulhi.u32 $0xCCCCCCCD, s1  }
0x47: {  	s6 =	sshra.s32 s15, $0x1F;
	s3 =	simm.s32 @!p0 $0x7;
	s4 =	sand.u32 s4, s17  }
0x48: {  	s31 =	sshra.s32 s13, $0x1F;
	s3 =	ssub.s32 s3, s4;
	s2 =	sshrl.u32 s2, $0xA  }
0x49: {  	s26 =	sshll.u32 s5, $0xE;
	s27 =	sadd.s32 $0xFFFFFFF9, s3;
	s2 =	smul.u32 $0x500, s2  }
0x4a: {  	s5 =	sand.u32 s28, s16;
	s6 =	sand.u32 s6, s15;
	p0 =	sgt.s32 s27, $0x0  }
0x4b: {  	s0 =	smulhi.u32 $0xCCCCCCCD, s0;
	s1 =	ssub.s32 s1, s2;
	s2 =	ssub.s32 $0x8, s3  }
0x4c: {  	s3 =	smov.u32 s16;
	s2 =	simm.s32 @p0 $0x0;
	p0 =	sgt.s32 s16, $0x3  }
0x4d: {  	s24 =	smul.u32 $0xA1400, s17;
	s0 =	sshrl.u32 s0, $0xA;
	s3 =	simm.s32 @!p0 $0x3  }
0x4e: {  	p0 =	sgt.s32 s15, $0x388;
	s3 =	ssub.s32 s3, s5;
	s5 =	smov.u32 s15  }
0x4f: {  	s29 =	smulhi.u32 $0x3F80FF, s0;
	s7 =	sadd.s32 $0xFFFFFFFD, s3;
	s5 =	simm.s32 @!p0 $0x388  }
0x50: {  	s3 =	ssub.s32 $0x4, s3;
	p0 =	sgt.s32 s7, $0x0;
	s5 =	ssub.s32 s5, s6  }
0x51: {  	s6 =	smul.u32 $0x408, s29;
	s3 =	simm.s32 @p0 $0x0;
	s30 =	sadd.s32 $0xFFFFFC78, s5  }
0x52: {  	s2 =	smul.u32 s2, s3;
	p0 =	sgt.s32 s30, $0x7F;
	s3 =	ssub.s32 $0x408, s5  }
0x53: {  	s5 =	smov.u32 s13;
	s3 =	simm.s32 @p0 $0x0;
	p0 =	sgt.s32 s13, $0x480  }
0x54: {  	s25 =	smul.u32 $0x28500, s16;
	s7 =	sand.u32 s31, s13;
	s5 =	simm.s32 @!p0 $0x480  }
0x55: {  	s28 =	sand.u32 $0x7, s1;
	s0 =	ssub.s32 s0, s6;
	s23 =	ssub.s32 s5, s7  }
0x56: {  	s2 =	smul.u32 s3, s2;
	s3 =	sand.u32 $0x4000, s26;
	s5 =	sadd.s32 $0xFFFFFB80, s23  }
0x57: {  	s26 =	rddreg [dreg:$0x3];
	s4 =	ssub.s32 $0x500, s23;
	p0 =	sgt.s32 s5, $0x7F  }
0x58: {  	s0 =	smul.u32 $0xA0, s0;
	s6 =	sadd.s32 s26, s24;
	s4 =	simm.s32 @p0 $0x0  }
0x59: {  	s1 =	sshrl.u32 s1, $0x3;
	s27 =	sadd.s32 s25, s6;
	s2 =	smul.u32 s4, s2  }
0x5a: {  	s29 =	sshll.u32 s28, $0x12;
	s31 =	simm.s32 $0x2800;
	s0 =	sadd.s32 s0, s27  }
0x5b: {  	s30 =	sor.u32 $0x400, s29;
	s0 =	sadd.s32 s1, s0;
	s2 =	sand.u32 $0x3FFFFFFF, s2  }
0x5c: {  	[tilespmem:s3], [sflag:$0x1] =	stream.strided.gather [hbm4b:s0+s30], s2, s31, s30, $0x38;
	[tilespmem:$0x10000] =	vst v63  }
.LBB1_3:
0x5d: {  	p0 =	seq.s32 s11, $0x0  }
0x5e: {  	p1 =	seq.s32 @!p0 s11, $0x5B  }
0x5f: {  	p0 =	por p0, p1  }
.Ltmp3:
0x60: {  	_ = 	snop;
	(pc) =	sbr.rel @p0 .LBB1_19-.Ltmp3, $1  }
0x61: {  	_ =	sdelay $0x3  }
0x62: {  	[dreg:$0x7] =	wrdreg s22;
	p0 =	sgt.s32 s18, $0x7  }
0x63: {  	s0 =	smov.u32 s18;
	s1 =	sshra.s32 s18, $0x1F;
	s2 =	smov.u32 s12  }
0x64: {  	s3 =	sshra.s32 s12, $0x1F;
	s8 =	ssub.s32 $0x0, s10;
	s14 =	sshra.s32 s10, $0x1F  }
0x65: {  	p2 =	sgt.s32 s10, $0x388;
	s4 =	smov.u32 s10;
	s24 =	sshra.s32 s9, $0x1F  }
0x66: {  	s0 =	simm.s32 @!p0 $0x7;
	p0 =	sgt.s32 s12, $0x3;
	s1 =	sand.u32 s1, s18  }
0x67: {  	s3 =	sand.u32 s3, s12;
	s2 =	simm.s32 @!p0 $0x3;
	s0 =	ssub.s32 s0, s1  }
0x68: {  	s4 =	simm.s32 @!p2 $0x388;
	s6 =	ssub.s32 s2, s3;
	s7 =	sadd.s32 $0xFFFFFFF9, s0  }
0x69: {  	s0 =	ssub.s32 $0x8, s0;
	s2 =	sand.u32 s8, s14;
	s3 =	sadd.s32 $0xFFFFFFFD, s6  }
0x6a: {  	p0 =	sgt.s32 s7, $0x0;
	s1 =	ssub.s32 $0x4, s6;
	[dreg:$0x9] =	wrdreg s2  }
0x6b: {  	s2 =	sadd.s32 s2, s4;
	p1 =	sgt.s32 s3, $0x0;
	s0 =	simm.s32 @p0 $0x0  }
0x6c: {  	s23 =	sadd.s32 $0xFFFFFC78, s2;
	s2 =	ssub.s32 $0x408, s2;
	s1 =	simm.s32 @p1 $0x0  }
0x6d: {  	p1 =	sgt.s32 s9, $0x480;
	s22 =	smul.u32 s0, s1;
	s0 =	smov.u32 s9  }
0x6e: {  	p0 =	sgt.s32 s23, $0x7F;
	s1 =	sand.u32 s24, s9;
	s0 =	simm.s32 @!p1 $0x480  }
0x6f: {  	s2 =	simm.s32 @p0 $0x0;
	s0 =	ssub.s32 s0, s1  }
0x70: {  	s25 =	smul.u32 s2, s22;
	s26 =	sadd.s32 $0xFFFFFB80, s0  }
0x71: {  	s3 =	ssub.s32 $0x500, s0;
	s0 =	sadd.s32 $0x1, s18;
	p0 =	sgt.s32 s26, $0x7F  }
0x72: {  	s2 =	sadd.s32 $0x1, s12;
	s3 =	simm.s32 @p0 $0x0;
	p0 =	slt.s32 s0, $0x8  }
0x73: {  	s0 =	simm.s32 @!p0 $0x8;
	p0 =	slt.s32 s2, $0x4  }
0x74: {  	s26 =	ssub.s32 s0, s18;
	s2 =	simm.s32 @!p0 $0x4;
	s0 =	sadd.s32 $0x80, s10  }
0x75: {  	s27 =	ssub.s32 s2, s12;
	p1 =	slt.s32 s0, $0x401;
	p0 =	slt.s32 s26, $0x1  }
0x76: {  	s0 =	simm.s32 @!p1 $0x401;
	p1 =	slt.s32 @!p0 s27, $0x1  }
0x77: {  	s28 =	ssub.s32 s0, s10;
	p1 =	por p0, p1  }
0x78: {  	p2 =	slt.s32 @!p1 s28, $0x1  }
0x79: {  	[dreg:$0x6] =	wrdreg s18;
	s1 =	smul.u32 s3, s25;
	p1 =	por p1, p2  }
.Ltmp4:
0x7a: {  	[dreg:$0x8] =	wrdreg s22;
	(pc) =	sbr.rel @p1 .LBB1_18-.Ltmp4, $4  }
0x7b: {  	s30 =	simm.s32 $0x1;
	[dreg:$0xa] =	wrdreg s3;
	s1 =	sand.u32 $0x3FFFFFFF, s1  }
0x7c: {  	_ =	swait.ge [sflag:s30], s1  }
0x7d: {  	s31 =	sshll.u32 s11, $0xE;
	s29 =	ssub.s32 $0x0, s1;
	[sflag:s30] =	ssyncset.done $0x0  }
0x7e: {  	s25 =	sand.u32 $0x4000, s31;
	[sflag:s30] =	ssyncadd.s32 s29  }
0x7f: {  	s0 =	sadd.s32 $0x80, s9  }
0x80: {  	p1 =	slt.s32 s0, $0x500  }
.Ltmp5:
0x81: {  	s0 =	simm.s32 @!p1 $0x500;
	(pc) =	sbr.rel .LBB1_6-.Ltmp5, $4  }
0x82: {  	s0 =	ssub.s32 s0, s9  }
0x83: {  	s31 =	sor.u32 @!p0 $0x8000, s25;
	s1 =	simm.s32 $0x0;
	s2 =	sadd.s32 $0xF, s0  }
0x84: {  	s29 =	sand.u32 $0xFFFFFFF0, s2;
	s0 =	sshll.u32 s2, $0x3;
	s30 =	sand.u32 @!p0 $0xFFFFFF00, s2  }
0x85: {  	p0 =	slt.s32 s2, $0x100;
	s0 =	sand.u32 $0xFFFFF800, s0;
	p1 =	sge.s32 s30, s29  }
.LBB1_17:
0x86: {  	s1 =	sadd.s32 $0x1, s1  }
0x87: {  	p2 =	sne.s32 s1, s26  }
.Ltmp6:
0x88: {  	_ = 	snop;
	(pc) =	sbr.rel @!p2 .LBB1_18-.Ltmp6, $1  }
0x89: {  	_ =	sdelay $0x3  }
.LBB1_6:
.Ltmp7:
0x8a: {  	(pc) =	sbr.rel .LBB1_7-.Ltmp7, $4  }
0x8b: {  	_ = 	snop  }
0x8c: {  	s2 =	sshll.u32 s1, $0x10  }
0x8d: {  	s2 =	sshra.s32 s2, $0x2  }
0x8e: {  	s7 =	simm.s32 $0x0;
	s2 =	sadd.s32 s2, s31  }
.LBB1_16:
0x8f: {  	s7 =	sadd.s32 $0x1, s7  }
0x90: {  	p2 =	sne.s32 s7, s27  }
.Ltmp8:
0x91: {  	_ = 	snop;
	(pc) =	sbr.rel @!p2 .LBB1_17-.Ltmp8, $1  }
0x92: {  	_ =	sdelay $0x3  }
.LBB1_7:
.Ltmp9:
0x93: {  	(pc) =	sbr.rel .LBB1_8-.Ltmp9, $4  }
0x94: {  	s3 =	sadd.s32 s1, s7  }
0x95: {  	s4 =	sshll.u32 s7, $0x7;
	s3 =	sshll.u32 s3, $0x10  }
0x96: {  	s5 =	simm.s32 $0x400;
	s24 =	sand.u32 $0x180, s4;
	s3 =	sshra.s32 s3, $0x2  }
0x97: {  	s4 =	simm.s32 $0x0;
	s8 =	sadd.s32 s3, s25;
	s3 =	sadd.s32 s24, s2  }
.LBB1_15:
0x98: {  	s4 =	sadd.s32 $0x1, s4  }
0x99: {  	p2 =	sne.s32 s4, s28  }
.Ltmp10:
0x9a: {  	_ = 	snop;
	(pc) =	sbr.rel @!p2 .LBB1_16-.Ltmp10, $2  }
0x9b: {  	_ =	sdelay $0x2  }
0x9c: {  	s5 =	sadd.s32 $0x80, s5  }
.LBB1_8:
.Ltmp11:
0x9d: {  	(pc) =	sbr.rel @p0 .LBB1_12-.Ltmp11, $2  }
0x9e: {  	_ =	sdelay $0x2  }
0x9f: {  	s6 =	sshll.u32 s4, $0x7  }
0xa0: {  	s18 =	sand.u32 $0x380, s6  }
0xa1: {  	s18 =	sadd.s32 s18, s8  }
0xa2: {  	v0 =	vmov s18;
	_ =	sdelay $0x3  }
0xa3: {  	s23 =	sand.u32 $0x3C00, s5  }
0xa4: {  	v7 =	vld.idx.msk [tilespmem:v0+s23+$0x70 ss:$0x1], $0xffff  }
0xa5: {  	p2 =	sgt.s32 s30, $0x100;
	v6 =	vld.idx.msk [tilespmem:v0+s23+$0x0 ss:$0x1], $0xffff  }
.Ltmp12:
0xa6: {  	v1 =	vld.idx.msk [tilespmem:v0+s23+$0x10 ss:$0x1], $0xffff;
	(pc) =	sbr.rel @!p2 .LBB1_11-.Ltmp12, $4  }
0xa7: {  	v2 =	vld.idx.msk [tilespmem:v0+s23+$0x20 ss:$0x1], $0xffff  }
0xa8: {  	v3 =	vld.idx.msk [tilespmem:v0+s23+$0x30 ss:$0x1], $0xffff  }
0xa9: {  	s22 =	sadd.s32 s6, s3;
	v4 =	vld.idx.msk [tilespmem:v0+s23+$0x40 ss:$0x1], $0xffff  }
0xaa: {  	s24 =	simm.s32 $0x100;
	s18 =	sadd.s32 $0x800, s5;
	v5 =	vld.idx.msk [tilespmem:v0+s23+$0x50 ss:$0x1], $0xffff;
	[tilespmem:s22+$0x70] =	vst v7  }
.LBB1_10:
0xab: {  	s24 =	sadd.s32 $0x100, s24;
	[tilespmem:s22+$0x0] =	vst v6;
	v7 =	vld.idx.msk [tilespmem:v0+s23+$0x60 ss:$0x1], $0xffff;
	s23 =	sand.u32 $0x3C00, s18  }
0xac: {  	v8 =	vld.idx.msk [tilespmem:v0+s23+$0x70 ss:$0x1], $0xffff;
	p2 =	slt.s32 s24, s30;
	[tilespmem:s22+$0x10] =	vst v1  }
0xad: {  	v6 =	vld.idx.msk [tilespmem:v0+s23+$0x0 ss:$0x1], $0xffff;
	[tilespmem:s22+$0x20] =	vst v2  }
.Ltmp13:
0xae: {  	v1 =	vld.idx.msk [tilespmem:v0+s23+$0x10 ss:$0x1], $0xffff;
	[tilespmem:s22+$0x30] =	vst v3;
	(pc) =	sbr.rel @p2 .LBB1_10-.Ltmp13, $4  }
0xaf: {  	v2 =	vld.idx.msk [tilespmem:v0+s23+$0x20 ss:$0x1], $0xffff;
	[tilespmem:s22+$0x40] =	vst v4  }
0xb0: {  	v3 =	vld.idx.msk [tilespmem:v0+s23+$0x30 ss:$0x1], $0xffff;
	[tilespmem:s22+$0x50] =	vst v5  }
0xb1: {  	v4 =	vld.idx.msk [tilespmem:v0+s23+$0x40 ss:$0x1], $0xffff;
	[tilespmem:s22+$0x60] =	vst v7  }
0xb2: {  	s18 =	sadd.s32 $0x800, s18;
	v5 =	vld.idx.msk [tilespmem:v0+s23+$0x50 ss:$0x1], $0xffff;
	[tilespmem:s22+$0x70] =	vst v8  }
.LBB1_11:
0xb3: {  	_ =	sdelay $0x2  }
0xb4: {  	[tilespmem:s22+$0x0] =	vst v6  }
0xb5: {  	v0 =	vld.idx.msk [tilespmem:v0+s23+$0x60 ss:$0x1], $0xffff;
	[tilespmem:s22+$0x10] =	vst v1  }
0xb6: {  	[tilespmem:s22+$0x20] =	vst v2  }
0xb7: {  	[tilespmem:s22+$0x30] =	vst v3  }
0xb8: {  	[tilespmem:s22+$0x40] =	vst v4  }
0xb9: {  	[tilespmem:s22+$0x50] =	vst v5  }
0xba: {  	[tilespmem:s22+$0x60] =	vst v0  }
.LBB1_12:
.Ltmp14:
0xbb: {  	(pc) =	sbr.rel @p1 .LBB1_15-.Ltmp14, $1  }
0xbc: {  	_ =	sdelay $0x3  }
0xbd: {  	s18 =	sshll.u32 s4, $0x9  }
0xbe: {  	s18 =	sshra.s32 s18, $0x2  }
0xbf: {  	s22 =	sand.u32 $0x380, s6;
	s23 =	sadd.s32 s18, s3  }
0xc0: {  	s18 =	sadd.s32 s22, s8;
	s22 =	smov.u32 s0;
	v0 =	vmov s23;
	s23 =	smov.u32 s30  }
.LBB1_14:
0xc1: {  	s24 =	sand.u32 $0x3C00, s22  }
0xc2: {  	s24 =	sadd.s32 s6, s24  }
0xc3: {  	s24 =	sand.u32 $0x3C00, s24  }
0xc4: {  	s14 =	sand.u32 $0x70, s23;
	s24 =	sadd.s32 s24, s18  }
0xc5: {  	s23 =	sadd.s32 $0x10, s23;
	s24 =	sadd.s32 s14, s24  }
0xc6: {  	p2 =	slt.s32 s23, s29;
	v1 =	vld [tilespmem:s24+$0x0]  }
.Ltmp15:
0xc7: {  	_ = 	snop;
	(pc) =	sbr.rel @p2 .LBB1_14-.Ltmp15, $2  }
0xc8: {  	_ =	sdelay $0x2  }
0xc9: {  	s22 =	sadd.s32 $0x80, s22;
	[tilespmem:v0+s14+$0x0 ss:$0x1] =	vst.idx.msk $0xffff, v1  }
.Ltmp16:
0xca: {  	_ = 	snop;
	(pc) =	sbr.rel .LBB1_15-.Ltmp16, $1  }
0xcb: {  	_ =	sdelay $0x3  }
.LBB1_20:
0xcc: {  	_ =	sfence.sel $0x180000  }
0xcd: {  	s0 =	simm.s32 $0x1;
	[bflag:$0x0] =	sbarrier.arrive $0xFFFF  }
0xce: {  	s30 =	simm.s32 $0x2;
	[sflag:s0] =	ssyncpa.u1 $0x1  }
0xcf: {  	[sflag:s30] =	ssyncpa.u1 $0x1  }
0xd0: {  	_ =	strace $0x90000047  }
0xd1: {  	s31 =	stileid.u32;
	[bflag:$0x2] =	sbarrier.arrive $0xFFFF  }
0xd2: {  	p0 =	sne.s32 s31, $0x0;
	s0 =	rddreg [dreg:$0x2]  }
0xd3: {  	s0 =	sadd.s32 @!p0 $0x100000, s0  }
0xd4: {  	[sflag:s0] =	ssyncadd.tile.s32 @!p0 $0x1;
	_ =	shalt  }
.Lfunc_end1:
_tile_overlayer_lowered:
.L_overlay_start_2:
0xd5: {  	(tag) =	ssettag $0x2  }
0xd6: {  	s0 =	rddreg [dreg:$0x0];
	s2 =	stileid.u32  }
0xd7: {  	s1 =	rddreg [dreg:$0x1];
	p0 =	sne.s32 s2, $0x0  }
0xd8: {  	s3 =	rddreg [dreg:$0x2];
	[bflag:$0x3] =	sbarrier.arrive $0xFFFF;
	s2 =	simm.s32 @!p0 $0x1C01  }
0xd9: {  	[timem:s3], [sflag:s2] =	dma.local @!p0 [hbm:s0], s1  }
0xda: {  	s0 =	simm.s32 @!p0 $0x1  }
0xdb: {  	_ =	swait.ge @!p0 [sflag:s0], s1  }
0xdc: {  	s1 =	ssub.s32 @!p0 $0x0, s1;
	[sflag:s0] =	ssyncset.done @!p0 $0x0  }
0xdd: {  	[sflag:s0] =	ssyncadd.s32 @!p0 s1  }
0xde: {  	[bflag:$0x3] =	sbarrier.arrive $0xFFFF  }
0xdf: {  	_ =	shalt  }

</sc_bundles>
